<compile_context>
chip_gen: v7x
topology: tpu7x:2x2x1
jax: 0.10.2.dev20260603
libtpu: 0.0.44.dev20260713+nightly
codegen_flags: <defaults>
</compile_context>

<pallas_src>
import functools

import jax
import jax.numpy as jnp
from jax import lax
from jax.experimental import pallas as pl
from jax.experimental.pallas import tpu as pltpu
from jax.experimental.pallas import tpu_sc as plsc

V = 100000
D = 128
B = 4096
H = 50

NC = 2
NS = 16
L = 16
NW = NC * NS
BPW = B // NW

_MESH = plsc.VectorSubcoreMesh(core_axis_name="c", subcore_axis_name="s")


@functools.partial(
    pl.kernel,
    mesh=_MESH,
    out_type=jax.ShapeDtypeStruct((B, D), jnp.float32),
    scratch_types=[
        pltpu.VMEM((H, BPW), jnp.int32),
        pltpu.VMEM((BPW, D), jnp.float32),
        pltpu.VMEM((BPW, D), jnp.float32),
        pltpu.SemaphoreType.DMA,
    ],
)
def _bag_sum(xT_hbm, table_hbm, out_hbm, idx_v, rows_v, acc_v, sem):
    wid = lax.axis_index("s") * NC + lax.axis_index("c")
    base = wid * BPW
    pltpu.sync_copy(xT_hbm.at[:, pl.ds(base, BPW)], idx_v)
    pltpu.async_copy(table_hbm.at[idx_v.at[0]], acc_v, sem).wait()

    def h_step(h, carry):
        pltpu.async_copy(table_hbm.at[idx_v.at[h]], rows_v, sem).wait()

        def r_step(r, c2):
            for j in range(D // L):
                sl = pl.ds(j * L, L)
                plsc.addupdate(acc_v.at[r, sl], rows_v[r, sl])
            return c2

        return lax.fori_loop(0, BPW, r_step, carry)

    lax.fori_loop(1, H, h_step, 0)
    pltpu.sync_copy(acc_v, out_hbm.at[pl.ds(base, BPW)])


_BN = 6272
_BM = 128
_NB = B // _BM
_NV = pl.cdiv(V, _BN)


def _mm_body(x_ref, w_ref, b_ref, o_ref):
    o_ref[...] = (
        lax.dot_general(
            x_ref[...], w_ref[...],
            (((1,), (1,)), ((), ())),
            preferred_element_type=jnp.float32,
        )
        + b_ref[...]
    )


def _project(bags16, fc1_w16, fc1_b2d):
    return pl.pallas_call(
        _mm_body,
        grid=(_NV, _NB),
        in_specs=[
            pl.BlockSpec((_BM, D), lambda j, i: (i, 0)),
            pl.BlockSpec((_BN, D), lambda j, i: (j, 0)),
            pl.BlockSpec((1, _BN), lambda j, i: (0, j)),
        ],
        out_specs=pl.BlockSpec((_BM, _BN), lambda j, i: (i, j)),
        out_shape=jax.ShapeDtypeStruct((B, V), jnp.float32),
        compiler_params=pltpu.CompilerParams(
            dimension_semantics=("parallel", "parallel"),
        ),
    )(bags16, fc1_w16, fc1_b2d)


def kernel(x_in, embedding, fc1_w, fc1_b):
    xT = x_in.T
    bags = _bag_sum(xT, embedding)
    return _project(bags, fc1_w, fc1_b.reshape(1, V))

# --- scband reference (transcript-rebuilt; emitter-appended) ---
"""Pipeline reference for scband-cbow-classifier-42382737277263 (READ-ONLY COPY).

The authoritative reference and input builder live on the scoring server;
editing this copy changes nothing except your own understanding.
"""

import jax, jax.numpy as jnp
import numpy as np

VOCAB = 100000
EMBED = 128
BATCH = 4096
HIST = 50
PAD_IDX = 0


def setup_inputs(seed: int = 0) -> dict:
    key = jax.random.key(seed)
    k1, k2, k3 = jax.random.split(key, 3)
    x_in = jax.random.randint(k1, (BATCH, HIST), 0, VOCAB, dtype=jnp.int32)
    embedding = jax.random.normal(k2, (VOCAB, EMBED), dtype=jnp.float32) * 0.02
    # padding_idx row is zero in torch Embedding
    embedding = embedding.at[PAD_IDX].set(0.0)
    fc1_w = jax.random.normal(k3, (VOCAB, EMBED), dtype=jnp.float32) * 0.02
    fc1_b = jnp.zeros((VOCAB,), dtype=jnp.float32)
    return {"x_in": x_in, "embedding": embedding, "fc1_w": fc1_w, "fc1_b": fc1_b}


def reference(x_in, embedding, fc1_w, fc1_b):
    # embedding lookup: [B, L, d]
    emb = jnp.take(embedding, x_in, axis=0)
    # CBOW bag-sum over context window: [B, d]
    x_embedded_sum = emb.sum(axis=1)
    # linear projection back to vocab logits: [B, V]
    y_out = x_embedded_sum @ fc1_w.T + fc1_b
    return y_out

if __name__ == "__main__":
    import jax
    _d = setup_inputs()
    print(jax.jit(kernel)(*tuple(_d.values())))

</pallas_src>

<mosaic_0001>
#map = affine_map<(d0, d1) -> (0, 0)>
module attributes {stable_mosaic.version = 14 : i64} {
  func.func @_bag_sum(%arg0: i32, %arg1: i32, %arg2: memref<50x4096xi32, #tpu.memory_space<hbm>>, %arg3: memref<100000x128xf32, #tpu.memory_space<hbm>>, %arg4: memref<4096x128xf32, #tpu.memory_space<hbm>>, %arg5: memref<50x128xi32, #tpu.memory_space<vmem>>, %arg6: memref<128x128xf32, #tpu.memory_space<vmem>>, %arg7: memref<128x128xf32, #tpu.memory_space<vmem>>, %arg8: memref<!tpu.dma_semaphore, #tpu.memory_space<semaphore_mem>>) attributes {dimension_semantics = [#tpu.dimension_semantics<core_parallel>, #tpu.dimension_semantics<subcore_parallel>], iteration_bounds = array<i64: 2, 16>, scalar_prefetch = 0 : i64, scratch_operands = 4 : i64, tpu.core_type = #tpu.core_type<sc_vector_subcore>, window_params = [{transform_indices = #map}, {transform_indices = #map}, {transform_indices = #map}]} {
    %mul3A = arith.constant 2 : i32
    %mul3A_0 = arith.muli %arg1, %mul3A : i32
    %add3A = arith.addi %mul3A_0, %arg0 : i32
    %mul3A_1 = arith.constant 128 : i32
    %mul3A_2 = arith.muli %add3A, %mul3A_1 : i32
    "tpu.region"() ({
      %run_scoped3A = tpu.sem_alloc : memref<!tpu.dma_semaphore, #tpu.memory_space<semaphore_mem>>
      %dma_start3A_20 = arith.constant 0 : i32
      %dma_start3A_21 = tpu.memref_slice %arg2[%dma_start3A_20, %mul3A_2] : memref<50x4096xi32, #tpu.memory_space<hbm>> -> memref<50x128xi32, #tpu.memory_space<hbm>>
      %dma_start3A_22 = arith.constant 0 : i32
      %dma_start3A_23 = tpu.memref_slice %arg2[%dma_start3A_22, %mul3A_2] : memref<50x4096xi32, #tpu.memory_space<hbm>> -> memref<50x128xi32, #tpu.memory_space<hbm>>
      tpu.enqueue_dma source(%dma_start3A_23 : memref<50x128xi32, #tpu.memory_space<hbm>>) target(%arg5 : memref<50x128xi32, #tpu.memory_space<vmem>>) target_semaphore(%run_scoped3A : memref<!tpu.dma_semaphore, #tpu.memory_space<semaphore_mem>>)
      %dma_wait3A_24 = arith.constant 0 : i32
      %dma_wait3A_25 = tpu.memref_slice %arg2[%dma_wait3A_24, %mul3A_2] : memref<50x4096xi32, #tpu.memory_space<hbm>> -> memref<50x128xi32, #tpu.memory_space<hbm>>
      %dma_wait3A_26 = arith.constant 0 : i32
      %dma_wait3A_27 = tpu.memref_slice %arg2[%dma_wait3A_26, %mul3A_2] : memref<50x4096xi32, #tpu.memory_space<hbm>> -> memref<50x128xi32, #tpu.memory_space<hbm>>
      tpu.wait_dma2 semaphore(%run_scoped3A : memref<!tpu.dma_semaphore, #tpu.memory_space<semaphore_mem>>) src(%dma_wait3A_27 : memref<50x128xi32, #tpu.memory_space<hbm>>) dst(%arg5 : memref<50x128xi32, #tpu.memory_space<vmem>>)
      tpu.yield
    }) : () -> ()
    %dma_start3A = arith.constant 0 : i32
    %dma_start3A_3 = arith.constant 0 : i32
    %dma_start3A_4 = tpu.memref_slice %arg5[%dma_start3A, %dma_start3A_3] : memref<50x128xi32, #tpu.memory_space<vmem>> -> memref<1x128xi32, #tpu.memory_space<vmem>>
    %dma_start3A_5 = tpu.memref_squeeze %dma_start3A_4 : memref<1x128xi32, #tpu.memory_space<vmem>> -> memref<128xi32, #tpu.memory_space<vmem>>
    %dma_start3A_6 = arith.constant 0 : i32
    %dma_start3A_7 = arith.constant 0 : i32
    %dma_start3A_8 = tpu.memref_slice %arg3[%dma_start3A_6, %dma_start3A_7] : memref<100000x128xf32, #tpu.memory_space<hbm>> -> memref<100000x128xf32, #tpu.memory_space<hbm>>
    tpu.enqueue_indirect_dma source(%dma_start3A_8 : memref<100000x128xf32, #tpu.memory_space<hbm>>) target(%arg7 : memref<128x128xf32, #tpu.memory_space<vmem>>) offsets(%dma_start3A_5 : memref<128xi32, #tpu.memory_space<vmem>>) semaphore(%arg8 : memref<!tpu.dma_semaphore, #tpu.memory_space<semaphore_mem>>)
    %dma_wait3A = arith.constant 0 : i32
    %dma_wait3A_9 = arith.constant 0 : i32
    %dma_wait3A_10 = tpu.memref_slice %arg5[%dma_wait3A, %dma_wait3A_9] : memref<50x128xi32, #tpu.memory_space<vmem>> -> memref<1x128xi32, #tpu.memory_space<vmem>>
    %dma_wait3A_11 = tpu.memref_squeeze %dma_wait3A_10 : memref<1x128xi32, #tpu.memory_space<vmem>> -> memref<128xi32, #tpu.memory_space<vmem>>
    %dma_wait3A_12 = arith.constant 0 : i32
    %dma_wait3A_13 = arith.constant 0 : i32
    %dma_wait3A_14 = tpu.memref_slice %arg3[%dma_wait3A_12, %dma_wait3A_13] : memref<100000x128xf32, #tpu.memory_space<hbm>> -> memref<100000x128xf32, #tpu.memory_space<hbm>>
    tpu.wait_indirect_dma semaphore(%arg8 : memref<!tpu.dma_semaphore, #tpu.memory_space<semaphore_mem>>) src(%dma_wait3A_14 : memref<100000x128xf32, #tpu.memory_space<hbm>>) dst(%arg7 : memref<128x128xf32, #tpu.memory_space<vmem>>)
    %scan3A = arith.constant 0 : i32
    %scan3A_15 = arith.constant 1 : i32
    %scan3A_16 = arith.constant 49 : i32
    %scan3A_17 = arith.addi %scan3A_15, %scan3A_16 : i32
    %scan3A_18 = arith.constant 1 : i32
    scf.for %scan3A_20 = %scan3A_15 to %scan3A_17 step %scan3A_18  : i32 {
      %dma_start3A_21 = arith.constant 0 : i32
      %dma_start3A_22 = tpu.memref_slice %arg5[%scan3A_20, %dma_start3A_21] : memref<50x128xi32, #tpu.memory_space<vmem>> -> memref<1x128xi32, #tpu.memory_space<vmem>>
      %dma_start3A_23 = tpu.memref_squeeze %dma_start3A_22 : memref<1x128xi32, #tpu.memory_space<vmem>> -> memref<128xi32, #tpu.memory_space<vmem>>
      %dma_start3A_24 = arith.constant 0 : i32
      %dma_start3A_25 = arith.constant 0 : i32
      %dma_start3A_26 = tpu.memref_slice %arg3[%dma_start3A_24, %dma_start3A_25] : memref<100000x128xf32, #tpu.memory_space<hbm>> -> memref<100000x128xf32, #tpu.memory_space<hbm>>
      tpu.enqueue_indirect_dma source(%dma_start3A_26 : memref<100000x128xf32, #tpu.memory_space<hbm>>) target(%arg6 : memref<128x128xf32, #tpu.memory_space<vmem>>) offsets(%dma_start3A_23 : memref<128xi32, #tpu.memory_space<vmem>>) semaphore(%arg8 : memref<!tpu.dma_semaphore, #tpu.memory_space<semaphore_mem>>)
      %dma_wait3A_27 = arith.constant 0 : i32
      %dma_wait3A_28 = tpu.memref_slice %arg5[%scan3A_20, %dma_wait3A_27] : memref<50x128xi32, #tpu.memory_space<vmem>> -> memref<1x128xi32, #tpu.memory_space<vmem>>
      %dma_wait3A_29 = tpu.memref_squeeze %dma_wait3A_28 : memref<1x128xi32, #tpu.memory_space<vmem>> -> memref<128xi32, #tpu.memory_space<vmem>>
      %dma_wait3A_30 = arith.constant 0 : i32
      %dma_wait3A_31 = arith.constant 0 : i32
      %dma_wait3A_32 = tpu.memref_slice %arg3[%dma_wait3A_30, %dma_wait3A_31] : memref<100000x128xf32, #tpu.memory_space<hbm>> -> memref<100000x128xf32, #tpu.memory_space<hbm>>
      tpu.wait_indirect_dma semaphore(%arg8 : memref<!tpu.dma_semaphore, #tpu.memory_space<semaphore_mem>>) src(%dma_wait3A_32 : memref<100000x128xf32, #tpu.memory_space<hbm>>) dst(%arg6 : memref<128x128xf32, #tpu.memory_space<vmem>>)
      %scan3A_33 = arith.constant 0 : i32
      %scan3A_34 = arith.constant 128 : i32
      %scan3A_35 = arith.addi %scan3A_33, %scan3A_34 : i32
      %scan3A_36 = arith.constant 1 : i32
      scf.for %scan3A_38 = %scan3A_33 to %scan3A_35 step %scan3A_36  : i32 {
        %get3A = arith.index_cast %scan3A_38 : i32 to index
        %get3A_39 = arith.constant 0 : index
        %get3A_40 = tpu.vector_load %arg6[%get3A, %get3A_39] {strides = array<i32>} : memref<128x128xf32, #tpu.memory_space<vmem>>, vector<1x16xf32>,
        %get3A_41 = vector.shape_cast %get3A_40 : vector<1x16xf32> to vector<16xf32>
        %swap3A = arith.index_cast %scan3A_38 : i32 to index
        %swap3A_42 = arith.constant 0 : index
        %swap3A_43 = tpu.vector_load %arg7[%swap3A, %swap3A_42] {strides = array<i32>} : memref<128x128xf32, #tpu.memory_space<vmem>>, vector<1x16xf32>,
        %swap3A_44 = vector.shape_cast %swap3A_43 : vector<1x16xf32> to vector<16xf32>
        %swap3A_45 = vector.shape_cast %get3A_41 : vector<16xf32> to vector<1x16xf32>
        tpu.vector_store %arg7[%swap3A, %swap3A_42], %swap3A_45 {add = true, strides = array<i32>} : memref<128x128xf32, #tpu.memory_space<vmem>>, vector<1x16xf32>,
        %get3A_46 = arith.index_cast %scan3A_38 : i32 to index
        %get3A_47 = arith.constant 16 : index
        %get3A_48 = tpu.vector_load %arg6[%get3A_46, %get3A_47] {strides = array<i32>} : memref<128x128xf32, #tpu.memory_space<vmem>>, vector<1x16xf32>,
        %get3A_49 = vector.shape_cast %get3A_48 : vector<1x16xf32> to vector<16xf32>
        %swap3A_50 = arith.index_cast %scan3A_38 : i32 to index
        %swap3A_51 = arith.constant 16 : index
        %swap3A_52 = tpu.vector_load %arg7[%swap3A_50, %swap3A_51] {strides = array<i32>} : memref<128x128xf32, #tpu.memory_space<vmem>>, vector<1x16xf32>,
        %swap3A_53 = vector.shape_cast %swap3A_52 : vector<1x16xf32> to vector<16xf32>
        %swap3A_54 = vector.shape_cast %get3A_49 : vector<16xf32> to vector<1x16xf32>
        tpu.vector_store %arg7[%swap3A_50, %swap3A_51], %swap3A_54 {add = true, strides = array<i32>} : memref<128x128xf32, #tpu.memory_space<vmem>>, vector<1x16xf32>,
        %get3A_55 = arith.index_cast %scan3A_38 : i32 to index
        %get3A_56 = arith.constant 32 : index
        %get3A_57 = tpu.vector_load %arg6[%get3A_55, %get3A_56] {strides = array<i32>} : memref<128x128xf32, #tpu.memory_space<vmem>>, vector<1x16xf32>,
        %get3A_58 = vector.shape_cast %get3A_57 : vector<1x16xf32> to vector<16xf32>
        %swap3A_59 = arith.index_cast %scan3A_38 : i32 to index
        %swap3A_60 = arith.constant 32 : index
        %swap3A_61 = tpu.vector_load %arg7[%swap3A_59, %swap3A_60] {strides = array<i32>} : memref<128x128xf32, #tpu.memory_space<vmem>>, vector<1x16xf32>,
        %swap3A_62 = vector.shape_cast %swap3A_61 : vector<1x16xf32> to vector<16xf32>
        %swap3A_63 = vector.shape_cast %get3A_58 : vector<16xf32> to vector<1x16xf32>
        tpu.vector_store %arg7[%swap3A_59, %swap3A_60], %swap3A_63 {add = true, strides = array<i32>} : memref<128x128xf32, #tpu.memory_space<vmem>>, vector<1x16xf32>,
        %get3A_64 = arith.index_cast %scan3A_38 : i32 to index
        %get3A_65 = arith.constant 48 : index
        %get3A_66 = tpu.vector_load %arg6[%get3A_64, %get3A_65] {strides = array<i32>} : memref<128x128xf32, #tpu.memory_space<vmem>>, vector<1x16xf32>,
        %get3A_67 = vector.shape_cast %get3A_66 : vector<1x16xf32> to vector<16xf32>
        %swap3A_68 = arith.index_cast %scan3A_38 : i32 to index
        %swap3A_69 = arith.constant 48 : index
        %swap3A_70 = tpu.vector_load %arg7[%swap3A_68, %swap3A_69] {strides = array<i32>} : memref<128x128xf32, #tpu.memory_space<vmem>>, vector<1x16xf32>,
        %swap3A_71 = vector.shape_cast %swap3A_70 : vector<1x16xf32> to vector<16xf32>
        %swap3A_72 = vector.shape_cast %get3A_67 : vector<16xf32> to vector<1x16xf32>
        tpu.vector_store %arg7[%swap3A_68, %swap3A_69], %swap3A_72 {add = true, strides = array<i32>} : memref<128x128xf32, #tpu.memory_space<vmem>>, vector<1x16xf32>,
        %get3A_73 = arith.index_cast %scan3A_38 : i32 to index
        %get3A_74 = arith.constant 64 : index
        %get3A_75 = tpu.vector_load %arg6[%get3A_73, %get3A_74] {strides = array<i32>} : memref<128x128xf32, #tpu.memory_space<vmem>>, vector<1x16xf32>,
        %get3A_76 = vector.shape_cast %get3A_75 : vector<1x16xf32> to vector<16xf32>
        %swap3A_77 = arith.index_cast %scan3A_38 : i32 to index
        %swap3A_78 = arith.constant 64 : index
        %swap3A_79 = tpu.vector_load %arg7[%swap3A_77, %swap3A_78] {strides = array<i32>} : memref<128x128xf32, #tpu.memory_space<vmem>>, vector<1x16xf32>,
        %swap3A_80 = vector.shape_cast %swap3A_79 : vector<1x16xf32> to vector<16xf32>
        %swap3A_81 = vector.shape_cast %get3A_76 : vector<16xf32> to vector<1x16xf32>
        tpu.vector_store %arg7[%swap3A_77, %swap3A_78], %swap3A_81 {add = true, strides = array<i32>} : memref<128x128xf32, #tpu.memory_space<vmem>>, vector<1x16xf32>,
        %get3A_82 = arith.index_cast %scan3A_38 : i32 to index
        %get3A_83 = arith.constant 80 : index
        %get3A_84 = tpu.vector_load %arg6[%get3A_82, %get3A_83] {strides = array<i32>} : memref<128x128xf32, #tpu.memory_space<vmem>>, vector<1x16xf32>,
        %get3A_85 = vector.shape_cast %get3A_84 : vector<1x16xf32> to vector<16xf32>
        %swap3A_86 = arith.index_cast %scan3A_38 : i32 to index
        %swap3A_87 = arith.constant 80 : index
        %swap3A_88 = tpu.vector_load %arg7[%swap3A_86, %swap3A_87] {strides = array<i32>} : memref<128x128xf32, #tpu.memory_space<vmem>>, vector<1x16xf32>,
        %swap3A_89 = vector.shape_cast %swap3A_88 : vector<1x16xf32> to vector<16xf32>
        %swap3A_90 = vector.shape_cast %get3A_85 : vector<16xf32> to vector<1x16xf32>
        tpu.vector_store %arg7[%swap3A_86, %swap3A_87], %swap3A_90 {add = true, strides = array<i32>} : memref<128x128xf32, #tpu.memory_space<vmem>>, vector<1x16xf32>,
        %get3A_91 = arith.index_cast %scan3A_38 : i32 to index
        %get3A_92 = arith.constant 96 : index
        %get3A_93 = tpu.vector_load %arg6[%get3A_91, %get3A_92] {strides = array<i32>} : memref<128x128xf32, #tpu.memory_space<vmem>>, vector<1x16xf32>,
        %get3A_94 = vector.shape_cast %get3A_93 : vector<1x16xf32> to vector<16xf32>
        %swap3A_95 = arith.index_cast %scan3A_38 : i32 to index
        %swap3A_96 = arith.constant 96 : index
        %swap3A_97 = tpu.vector_load %arg7[%swap3A_95, %swap3A_96] {strides = array<i32>} : memref<128x128xf32, #tpu.memory_space<vmem>>, vector<1x16xf32>,
        %swap3A_98 = vector.shape_cast %swap3A_97 : vector<1x16xf32> to vector<16xf32>
        %swap3A_99 = vector.shape_cast %get3A_94 : vector<16xf32> to vector<1x16xf32>
        tpu.vector_store %arg7[%swap3A_95, %swap3A_96], %swap3A_99 {add = true, strides = array<i32>} : memref<128x128xf32, #tpu.memory_space<vmem>>, vector<1x16xf32>,
        %get3A_100 = arith.index_cast %scan3A_38 : i32 to index
        %get3A_101 = arith.constant 112 : index
        %get3A_102 = tpu.vector_load %arg6[%get3A_100, %get3A_101] {strides = array<i32>} : memref<128x128xf32, #tpu.memory_space<vmem>>, vector<1x16xf32>,
        %get3A_103 = vector.shape_cast %get3A_102 : vector<1x16xf32> to vector<16xf32>
        %swap3A_104 = arith.index_cast %scan3A_38 : i32 to index
        %swap3A_105 = arith.constant 112 : index
        %swap3A_106 = tpu.vector_load %arg7[%swap3A_104, %swap3A_105] {strides = array<i32>} : memref<128x128xf32, #tpu.memory_space<vmem>>, vector<1x16xf32>,
        %swap3A_107 = vector.shape_cast %swap3A_106 : vector<1x16xf32> to vector<16xf32>
        %swap3A_108 = vector.shape_cast %get3A_103 : vector<16xf32> to vector<1x16xf32>
        tpu.vector_store %arg7[%swap3A_104, %swap3A_105], %swap3A_108 {add = true, strides = array<i32>} : memref<128x128xf32, #tpu.memory_space<vmem>>, vector<1x16xf32>,
      }
      %scan3A_37 = arith.constant 128 : i32
    }
    %scan3A_19 = arith.constant 49 : i32
    "tpu.region"() ({
      %run_scoped3A = tpu.sem_alloc : memref<!tpu.dma_semaphore, #tpu.memory_space<semaphore_mem>>
      %dma_start3A_20 = arith.constant 0 : i32
      %dma_start3A_21 = tpu.memref_slice %arg4[%mul3A_2, %dma_start3A_20] : memref<4096x128xf32, #tpu.memory_space<hbm>> -> memref<128x128xf32, #tpu.memory_space<hbm>>
      %dma_start3A_22 = arith.constant 0 : i32
      %dma_start3A_23 = tpu.memref_slice %arg4[%mul3A_2, %dma_start3A_22] : memref<4096x128xf32, #tpu.memory_space<hbm>> -> memref<128x128xf32, #tpu.memory_space<hbm>>
      tpu.enqueue_dma source(%arg7 : memref<128x128xf32, #tpu.memory_space<vmem>>) target(%dma_start3A_23 : memref<128x128xf32, #tpu.memory_space<hbm>>) target_semaphore(%run_scoped3A : memref<!tpu.dma_semaphore, #tpu.memory_space<semaphore_mem>>)
      %dma_wait3A_24 = arith.constant 0 : i32
      %dma_wait3A_25 = tpu.memref_slice %arg4[%mul3A_2, %dma_wait3A_24] : memref<4096x128xf32, #tpu.memory_space<hbm>> -> memref<128x128xf32, #tpu.memory_space<hbm>>
      %dma_wait3A_26 = arith.constant 0 : i32
      %dma_wait3A_27 = tpu.memref_slice %arg4[%mul3A_2, %dma_wait3A_26] : memref<4096x128xf32, #tpu.memory_space<hbm>> -> memref<128x128xf32, #tpu.memory_space<hbm>>
      tpu.wait_dma2 semaphore(%run_scoped3A : memref<!tpu.dma_semaphore, #tpu.memory_space<semaphore_mem>>) src(%arg7 : memref<128x128xf32, #tpu.memory_space<vmem>>) dst(%dma_wait3A_27 : memref<128x128xf32, #tpu.memory_space<hbm>>)
      tpu.yield
    }) : () -> ()
    return
  }
}

module attributes {stable_mosaic.version = 14 : i64} {
  func.func @_mm_body(%arg0: i32, %arg1: i32, %arg2: memref<128x128xf32, #tpu.memory_space<vmem>>, %arg3: memref<6272x128xf32, #tpu.memory_space<vmem>>, %arg4: memref<1x6272xf32, #tpu.memory_space<vmem>>, %arg5: memref<128x6272xf32, #tpu.memory_space<vmem>>) attributes {dimension_semantics = [#tpu.dimension_semantics<parallel>, #tpu.dimension_semantics<parallel>], iteration_bounds = array<i64: 16, 32>, scalar_prefetch = 0 : i64, scratch_operands = 0 : i64, tpu.core_type = #tpu.core_type<tc>, window_params = [{transform_indices = @transform_0, window_bounds = array<i64: 128, 128>}, {transform_indices = @transform_1, window_bounds = array<i64: 6272, 128>}, {transform_indices = @transform_2, window_bounds = array<i64: 1, 6272>}, {transform_indices = @transform_3, window_bounds = array<i64: 128, 6272>}]} {
    %get3A = arith.constant 0 : index
    %get3A_0 = arith.constant 0 : index
    %get3A_1 = vector.load %arg2[%get3A, %get3A_0] : memref<128x128xf32, #tpu.memory_space<vmem>>, vector<128x128xf32>
    %get3A_2 = arith.constant 0 : index
    %get3A_3 = arith.constant 0 : index
    %get3A_4 = vector.load %arg3[%get3A_2, %get3A_3] : memref<6272x128xf32, #tpu.memory_space<vmem>>, vector<6272x128xf32>
    %dot_general3A = arith.constant dense<0.000000e+00> : vector<128x6272xf32>
    %dot_general3A_5 = tpu.matmul %get3A_1, %get3A_4, %dot_general3A {dimension_numbers = #tpu.dot_dimension_numbers<[1], [1], [0], [0], [0, 0, 1, 0], [], []>, transpose_lhs_hint = false} : vector<128x128xf32>, vector<6272x128xf32>, vector<128x6272xf32> -> vector<128x6272xf32>
    %get3A_6 = arith.constant 0 : index
    %get3A_7 = arith.constant 0 : index
    %get3A_8 = vector.load %arg4[%get3A_6, %get3A_7] : memref<1x6272xf32, #tpu.memory_space<vmem>>, vector<1x6272xf32>
    %add3A = vector.broadcast %get3A_8 : vector<1x6272xf32> to vector<128x6272xf32>
    %add3A_9 = arith.addf %dot_general3A_5, %add3A : vector<128x6272xf32>
    %swap3A = arith.constant 0 : index
    %swap3A_10 = arith.constant 0 : index
    %swap3A_11 = vector.load %arg5[%swap3A, %swap3A_10] : memref<128x6272xf32, #tpu.memory_space<vmem>>, vector<128x6272xf32>
    tpu.vector_store %arg5[%swap3A, %swap3A_10], %add3A_9 {strides = array<i32>} : memref<128x6272xf32, #tpu.memory_space<vmem>>, vector<128x6272xf32>,
    return
  }
  func.func @transform_0(%arg0: i32, %arg1: i32) -> (i32, i32) {
    %c0_i32 = arith.constant 0 : i32
    %c0_i32_0 = arith.constant 0 : i32
    return %arg1, %c0_i32 : i32, i32
  }
  func.func @transform_1(%arg0: i32, %arg1: i32) -> (i32, i32) {
    %c0_i32 = arith.constant 0 : i32
    %c0_i32_0 = arith.constant 0 : i32
    return %arg0, %c0_i32 : i32, i32
  }
  func.func @transform_2(%arg0: i32, %arg1: i32) -> (i32, i32) {
    %c0_i32 = arith.constant 0 : i32
    %c0_i32_0 = arith.constant 0 : i32
    return %c0_i32, %arg0 : i32, i32
  }
  func.func @transform_3(%arg0: i32, %arg1: i32) -> (i32, i32) {
    %c0_i32 = arith.constant 0 : i32
    return %arg1, %arg0 : i32, i32
  }
}

</mosaic_0001>

<sc_bundles>
// kernel: kernel.4.cloned.1.call-start
scs
__scs_entry_jumppad:
0x0: {  	(pc) =	sbr.rel $0x88, $3  }
0x1: {  	(tag) =	ssettag $0x0;
	lr =	simm.s32 $0x1  }
0x2: {  	[smem:$0x3F9D] =	sst lr;
	_ =	strace $0xD0000000  }
0x3: {  	_ = 	snop  }
0x4: {  	_ = 	snop  }
0x5: {  	_ = 	snop  }
0x6: {  	_ = 	snop  }
0x7: {  	_ = 	snop  }
__scs_overlays_trampoline_lowered:
0x8: {  	[smem:$0x3FAC] =	sst s0  }
0x9: {  	[smem:$0x3FAD] =	sst s1  }
0xa: {  	[smem:$0x3FAE] =	sst s2  }
0xb: {  	[smem:$0x3FAF] =	sst s3  }
0xc: {  	[smem:$0x3FB0] =	sst s4  }
0xd: {  	[smem:$0x3FB1] =	sst s5  }
0xe: {  	[smem:$0x3FB2] =	sst s6  }
0xf: {  	[smem:$0x3FB3] =	sst s7  }
0x10: {  	[smem:$0x3FB4] =	sst s8  }
0x11: {  	[smem:$0x3FB5] =	sst s9;
	s0 =	simm.s32 @!p0 $0x0  }
0x12: {  	s1 =	sld [smem:$0x3F9B];
	s0 =	simm.s32 @p0 $0x1  }
0x13: {  	[smem:$0x3FB6] =	sst s0;
	s0 =	simm.s32 @!p1 $0x0  }
0x14: {  	s2 =	sld [smem:$0x3F9A];
	s0 =	simm.s32 @p1 $0x1  }
0x15: {  	[smem:$0x3FB7] =	sst s0;
	s0 =	simm.s32 @!p2 $0x0  }
0x16: {  	s3 =	sld [smem:$0x3FDB];
	s0 =	simm.s32 @p2 $0x1  }
0x17: {  	s4 =	simm.s32 $0x1BF5;
	[smem:$0x3FB9] =	sst s0  }
0x18: {  	s0 =	sld [smem:$0x3F9C];
	_ =	swait.ge [sflag:s4], $0x0  }
0x19: {  	s7 =	sld [smem:$0x3F9D]  }
0x1a: {  	s8 =	sadd.s32 $0xFFFFE003, lr  }
0x1b: {  	s9 =	sadd.s32 $0xFFFFFEF7, lr;
	s5 =	simm.s32 $0xFFFFFFFF;
	p2 =	slt.u32 s8, $0xFFFFF086  }
0x1c: {  	p1 =	slt.u32 s9, $0xF7A;
	s5 =	simm.s32 @!p2 $0x0  }
0x1d: {  	s5 =	simm.s32 @p1 $0x1;
	p0 =	seq.s32 s7, s2  }
0x1e: {  	s7 =	smul.u32 @!p0 $0xF7A, s2;
	p2 =	seq.s32 @!p0 s5, $0x0  }
0x1f: {  	s9 =	smul.u32 $0xF7A, s1;
	s8 =	simm.s32 @!p0 $0x1BF5;
	p2 =	por !p2, p0  }
0x20: {  	[sflag:s8] =	ssyncset.s32 @!p0 $0xFFFFF086;
	s6 =	sadd.s32 @!p0 s3, s7;
	s7 =	simm.s32 @!p0 $0x108  }
0x21: {  	s3 =	sadd.s32 s3, s9;
	s6 =	sadd.s32 @!p0 $0x88, s6;
	s7 =	simm.s32 @p2 $0x1082  }
0x22: {  	[simem:s7], [sflag:s8] =	dma.local @!p0 [hbm:s6], $0xF7A  }
0x23: {  	s9 =	sor.u32 $0xD0000000, s2;
	s6 =	simm.s32 $0x108;
	_ =	swait.ge @!p0 [sflag:s8], $0x0  }
0x24: {  	s3 =	sadd.s32 $0x88, s3;
	s6 =	simm.s32 @!p1 $0x1082;
	[sflag:s4] =	ssyncset.s32 $0xFFFFF086  }
0x25: {  	[simem:s6], [sflag:s4] =	dma.local [hbm:s3], $0xF7A  }
0x26: {  	[smem:$0x3F9D] =	sst s1;
	(tag) =	ssettag s2;
	_ =	strace s9  }
0x27: {  	s1 =	sld [smem:$0x3FAD]  }
0x28: {  	s2 =	sld [smem:$0x3FAE]  }
0x29: {  	s4 =	sld [smem:$0x3FB0]  }
0x2a: {  	p0 =	seq.s32 s5, $0x0;
	s5 =	sld [smem:$0x3FB1]  }
0x2b: {  	s6 =	sld [smem:$0x3FB2]  }
0x2c: {  	s7 =	sld [smem:$0x3FB3]  }
0x2d: {  	s3 =	simm.s32 $0x108;
	s8 =	sld [smem:$0x3FB4]  }
0x2e: {  	s3 =	simm.s32 @!p0 $0x1082;
	s9 =	sld [smem:$0x3FB5]  }
0x2f: {  	lr =	sadd.s32 s0, s3;
	s0 =	sld [smem:$0x3FAC]  }
0x30: {  	s3 =	sld [smem:$0x3FAF]  }
0x31: {  	[smem:$0x3FB8] =	sst s10  }
0x32: {  	s10 =	sld [smem:$0x3FB6];
	_ =	sdelay $0x3  }
0x33: {  	p0 =	seq.s32 s10, $0x1;
	s10 =	sld [smem:$0x3FB8];
	_ =	sdelay $0x3  }
0x34: {  	[smem:$0x3FB8] =	sst s10  }
0x35: {  	s10 =	sld [smem:$0x3FB7];
	_ =	sdelay $0x3  }
0x36: {  	p1 =	seq.s32 s10, $0x1;
	s10 =	sld [smem:$0x3FB8];
	_ =	sdelay $0x3  }
0x37: {  	[smem:$0x3FB8] =	sst s10  }
0x38: {  	s10 =	sld [smem:$0x3FB9]  }
0x39: {  	_ = 	snop;
	(pc) =	sbr.ind lr, $3  }
0x3a: {  	_ = 	snop  }
0x3b: {  	_ = 	snop  }
0x3c: {  	p2 =	seq.s32 s10, $0x1;
	s10 =	sld [smem:$0x3FB8]  }
0x3d: {  	_ =	shalt  }
0x3e: {  	_ =	shalt  }
0x3f: {  	_ =	shalt  }
0x40: {  	_ =	shalt  }
0x41: {  	_ =	shalt  }
0x42: {  	_ =	shalt  }
0x43: {  	_ =	shalt  }
0x44: {  	_ =	shalt  }
0x45: {  	_ =	shalt  }
0x46: {  	_ =	shalt  }
0x47: {  	_ =	shalt  }
0x48: {  	_ =	shalt  }
0x49: {  	_ =	shalt  }
0x4a: {  	_ =	shalt  }
0x4b: {  	_ =	shalt  }
0x4c: {  	_ =	shalt  }
0x4d: {  	_ =	shalt  }
0x4e: {  	_ =	shalt  }
0x4f: {  	_ =	shalt  }
0x50: {  	_ =	shalt  }
0x51: {  	_ =	shalt  }
0x52: {  	_ =	shalt  }
0x53: {  	_ =	shalt  }
0x54: {  	_ =	shalt  }
0x55: {  	_ =	shalt  }
0x56: {  	_ =	shalt  }
0x57: {  	_ =	shalt  }
0x58: {  	_ =	shalt  }
0x59: {  	_ =	shalt  }
0x5a: {  	_ =	shalt  }
0x5b: {  	_ =	shalt  }
0x5c: {  	_ =	shalt  }
0x5d: {  	_ =	shalt  }
0x5e: {  	_ =	shalt  }
0x5f: {  	_ =	shalt  }
0x60: {  	_ =	shalt  }
0x61: {  	_ =	shalt  }
0x62: {  	_ =	shalt  }
0x63: {  	_ =	shalt  }
0x64: {  	_ =	shalt  }
0x65: {  	_ =	shalt  }
0x66: {  	_ =	shalt  }
0x67: {  	_ =	shalt  }
0x68: {  	_ =	shalt  }
0x69: {  	_ =	shalt  }
0x6a: {  	_ =	shalt  }
0x6b: {  	_ =	shalt  }
0x6c: {  	_ =	shalt  }
0x6d: {  	_ =	shalt  }
0x6e: {  	_ =	shalt  }
0x6f: {  	_ =	shalt  }
0x70: {  	_ =	shalt  }
0x71: {  	_ =	shalt  }
0x72: {  	_ =	shalt  }
0x73: {  	_ =	shalt  }
0x74: {  	_ =	shalt  }
0x75: {  	_ =	shalt  }
0x76: {  	_ =	shalt  }
0x77: {  	_ =	shalt  }
0x78: {  	_ =	shalt  }
0x79: {  	_ =	shalt  }
0x7a: {  	_ =	shalt  }
0x7b: {  	_ =	shalt  }
0x7c: {  	_ =	shalt  }
0x7d: {  	_ =	shalt  }
0x7e: {  	_ =	shalt  }
0x7f: {  	_ =	shalt  }
0x80: {  	_ =	shalt  }
0x81: {  	_ =	shalt  }
0x82: {  	_ =	shalt  }
0x83: {  	_ =	shalt  }
0x84: {  	_ =	shalt  }
0x85: {  	_ =	shalt  }
0x86: {  	_ =	shalt  }
0x87: {  	_ =	shalt  }
.Lfunc_end0:
.L_simem_size_0:
called_computation_lowered:
.L_overlay_start_0:
0x88: {  	s2 =	sld [smem:$0x3FD9]  }
0x89: {  	s3 =	sld [smem:$0x3FFE];
	_ =	sdelay $0x1  }
0x8a: {  	s1 =	srdreg.scid  }
0x8b: {  	s0 =	sand.u32 $0x1, s1  }
0x8c: {  	s18 =	sshll.u32 s0, $0xA;
	s2 =	sadd.s32 s3, s2  }
0x8d: {  	s2 =	sadd.s32 s2, s18  }
0x8e: {  	[smem:$0x3FC4] =	sst s2  }
0x8f: {  	_ = 	snop  }
0x90: {  	s2 =	sld [smem:$0x3FC9]  }
0x91: {  	s19 =	sld [smem:$0x3FC8]  }
0x92: {  	s4 =	sld [smem:$0x3FD0];
	(tm) =	ssettm $0x1  }
0x93: {  	s5 =	sld [smem:$0x3FFB];
	_ =	sdelay $0x3  }
0x94: {  	_ =	strace s5  }
0x95: {  	s5 =	sld [smem:$0x3FFC];
	_ =	sdelay $0x3  }
0x96: {  	_ =	strace s5  }
0x97: {  	s5 =	sld [smem:$0x3FFD];
	_ =	sdelay $0x3  }
0x98: {  	_ =	strace s5  }
0x99: {  	_ =	strace $0x8FFFFFFF  }
0x9a: {  	s20 =	sld [smem:$0x3FDB];
	_ =	sdelay $0x1  }
0x9b: {  	s6 =	simm.s32 $_scs_section_size  }
0x9c: {  	s7 =	simm.s32 $_size__tile_overlayer_lowered;
	s8 =	simm.s32 $_tile_overlayer_lowered  }
0x9d: {  	s23 =	simm.s32 $0x1BFF;
	s22 =	sshll.u32 s8, $0x1;
	s5 =	sadd.s32 s6, s20  }
0x9e: {  	s9 =	simm.s32 $0x0;
	s21 =	sshll.u32 s7, $0x1;
	s7 =	sadd.s32 s22, s5  }
0x9f: {  	[timem:s9], [sflag:s23] =	dma.local [hbm:s7], s21  }
0xa0: {  	_ =	swait.ge [sflag:s23], s21  }
0xa1: {  	s6 =	ssub.s32 $0x0, s21;
	[sflag:s23] =	ssyncset.done $0x0  }
0xa2: {  	[sflag:s23] =	ssyncadd.s32 s6;
	_ =	sdelay $0x1  }
0xa3: {  	s24 =	simm.s32 $0x1B8B  }
0xa4: {  	_ =	swait.ge [sflag:s24], $0x1  }
0xa5: {  	[sflag:s24] =	ssyncset.done $0x0  }
0xa6: {  	s25 =	simm.s32 $0x1B8E;
	[sflag:s24] =	ssyncadd.s32 $0xFFFFFFFF  }
0xa7: {  	s26 =	simm.s32 $execute0_lowered;
	[smem:$0x3FD2] =	sst s25  }
0xa8: {  	s6 =	sshll.u32 s26, $0x1;
	_ =	strace $0x80000046;
	[dreg:$0x1] =	wrdreg $0xFFFFFFFF  }
0xa9: {  	s28 =	simm.s32 $_size_execute0_lowered;
	s5 =	sadd.s32 s5, s6;
	[dreg:$0x0] =	wrdreg $0x0  }
0xaa: {  	s6 =	sshll.u32 s28, $0x1;
	[dreg:$0x2] =	wrdreg s5  }
0xab: {  	[dreg:$0x3] =	wrdreg s6  }
0xac: {  	[dreg:$0x4] =	wrdreg $0xC0  }
0xad: {  	_ =	task [dreg:s9], $0x5FFFF  }
0xae: {  	[dreg:$0x1] =	wrdreg $0xFFFFFFFF  }
0xaf: {  	[dreg:$0x0] =	wrdreg $0x60  }
0xb0: {  	[dreg:$0x2] =	wrdreg s2  }
0xb1: {  	[dreg:$0x3] =	wrdreg s19  }
0xb2: {  	[dreg:$0x4] =	wrdreg s4  }
0xb3: {  	[dreg:$0x5] =	wrdreg $0x9  }
0xb4: {  	_ =	task.clear_ibuf [dreg:s9], $0x6FFFF;
	_ =	strace $0x90000046  }
0xb5: {  	s29 =	simm.s32 $0x9;
	_ =	strace $0x80000048  }
0xb6: {  	_ =	swait.ge [sflag:s29], $0x1  }
0xb7: {  	[sflag:s29] =	ssyncadd.s32 $0xFFFFFFFF  }
0xb8: {  	_ =	strace $0x90000048  }
0xb9: {  	_ =	sfence  }
0xba: {  	s30 =	sld [smem:$0x0];
	_ =	sdelay $0x2  }
0xbb: {  	s31 =	sshll.u32 s1, $0xD;
	s1 =	sshrl.u32 s1, $0x2  }
0xbc: {  	s3 =	sand.u32 $0x4000, s31;
	s1 =	sadd.s32 s1, s30  }
0xbd: {  	s0 =	sor.u32 s3, s0;
	s1 =	sshll.u32 s1, $0x11  }
0xbe: {  	s0 =	sor.u32 s1, s0  }
0xbf: {  	s0 =	sadd.s32 $0x8F2B, s0  }
0xc0: {  	[sflag:s0] =	ssyncadd.remote.s32 $0x1  }
0xc1: {  	_ =	sfence.sel $0xFFFF  }
0xc2: {  	[dreg:$0x0] =	wrdreg $0xFFFFFFFF;
	(pc) =	sbr.abs _section_cstart, $3  }
0xc3: {  	[dreg:$0x1] =	wrdreg $0xFFFFFFFF  }
0xc4: {  	_ =	task.clear_ibuf [dreg:s9], $0x2FFFF;
	_ =	strace $0x9FFFFFFF  }
0xc5: {  	(tm) =	ssettm $0x7FFFFFFF  }
tec
execute0_lowered:
.L_overlay_start_1:
0x0: {  	(tag) =	ssettag $0x1  }
0x1: {  	s4 =	rddreg [dreg:$0x0]  }
0x2: {  	s1 =	rddreg [dreg:$0x1]  }
0x3: {  	s6 =	rddreg [dreg:$0x2]  }
0x4: {  	s0 =	rddreg [dreg:$0x3];
	s3 =	simm.s32 $0x0;
	s5 =	srdreg.scid  }
0x5: {  	s2 =	stileid.u32;
	s10 =	simm.s32 $0x1800;
	s11 =	simm.s32 $0x2  }
0x6: {  	s12 =	simm.s32 $0x80;
	s13 =	simm.s32 $0x5C00;
	s14 =	simm.s32 $0x1C00  }
0x7: {  	s15 =	simm.s32 $0x1;
	s16 =	simm.s32 $0x0;
	s5 =	sand.u32 $0x1, s5  }
0x8: {  	s8 =	sshll.u32 s2, $0x8;
	s7 =	ssub.s32 $0x2, s5;
	s5 =	sshll.u32 s5, $0x7  }
0x9: {  	[smem:$0x7FF] =	sst s3;
	s9 =	sshrl.u32 s7, $0x1;
	s5 =	sor.u32 s5, s8  }
0xa: {  	_ =	strace $0x80000047;
	s7 =	ssub.s32 s7, s9;
	s4 =	sadd.s32 s4, s5  }
0xb: {  	s8 =	sshll.u32 s5, $0x4;
	s9 =	simm.s32 $0x8000;
	s5 =	sadd.s32 $0x6000, s4  }
0xc: {  	s6 =	sadd.s32 s6, s8;
	s7 =	smax.u32 s7, $0x1;
	s8 =	simm.s32 $0x400  }
.LBB2_1:
0xd: {  	[tilespmem:s3], [sflag:$0x2] =	stream.strided.gather [hbm4b:s4+s8], $0x1800, s9, s8, $0x38;
	[tilespmem:$0x9C00] =	vst v63  }
0xe: {  	_ = 	snop  }
0xf: {  	[tilespmem:s10], [sflag:$0x2] =	stream.linear.gather [hbm4b:s5+s3], $0x100, $0x38;
	[tilespmem:$0x9C00] =	vst v63  }
0x10: {  	_ =	swait.ge [sflag:s11], $0x1900  }
0x11: {  	[sflag:s11] =	ssyncset.done $0x0  }
0x12: {  	[sflag:s11] =	ssyncadd.s32 $0xFFFFE700  }
0x13: {  	[tilespmem:s13], [sflag:$0x1] =	stream.indirect.gather [hbm4b:s1+s12], $0x80, s3, s12, $0xb8;
	[tilespmem:$0x9C00] =	vst v63  }
0x14: {  	_ =	swait.ge [sflag:s15], $0x4000  }
0x15: {  	[sflag:s15] =	ssyncset.done $0x0  }
0x16: {  	s17 =	simm.s32 $0x1;
	[sflag:s15] =	ssyncadd.s32 $0xFFFFC000  }
.LBB2_2:
0x17: {  	s18 =	sshll.u32 s17, $0x7  }
0x18: {  	s18 =	sand.u32 $0x3FFFFF80, s18  }
0x19: {  	[tilespmem:s14], [sflag:$0x1] =	stream.indirect.gather [hbm4b:s1+s12], $0x80, s18, s12, $0xb8;
	[tilespmem:$0x9C00] =	vst v63  }
0x1a: {  	_ =	swait.ge [sflag:s15], $0x4000  }
0x1b: {  	[sflag:s15] =	ssyncset.done $0x0  }
0x1c: {  	s19 =	simm.s32 $0x200;
	s18 =	simm.s32 $0x0;
	[sflag:s15] =	ssyncadd.s32 $0xFFFFC000  }
.LBB2_3:
0x1d: {  	p0 =	sne.s32 s19, $0xFE00;
	v0 =	vld [tilespmem:s18+$0x1C70]  }
0x1e: {  	v1 =	vld [tilespmem:s18+$0x1C00]  }
0x1f: {  	v2 =	vld [tilespmem:s18+$0x1C10]  }
0x20: {  	v3 =	vld [tilespmem:s18+$0x1C20]  }
0x21: {  	v4 =	vld [tilespmem:s18+$0x1C30]  }
0x22: {  	[tilespmem:s18+$0x5C70] =	vst.add.f32.msk $0xffff, v0  }
0x23: {  	v0 =	vld [tilespmem:s18+$0x1C40]  }
0x24: {  	v5 =	vld [tilespmem:s18+$0x1C50]  }
0x25: {  	v6 =	vld [tilespmem:s18+$0x1C60]  }
0x26: {  	[tilespmem:s18+$0x5C00] =	vst.add.f32.msk $0xffff, v1  }
0x27: {  	[tilespmem:s18+$0x5C10] =	vst.add.f32.msk $0xffff, v2  }
.Ltmp0:
0x28: {  	[tilespmem:s18+$0x5C20] =	vst.add.f32.msk $0xffff, v3;
	(pc) =	sbr.rel @p0 .LBB2_3-.Ltmp0, $4  }
0x29: {  	[tilespmem:s18+$0x5C30] =	vst.add.f32.msk $0xffff, v4  }
0x2a: {  	[tilespmem:s18+$0x5C40] =	vst.add.f32.msk $0xffff, v0  }
0x2b: {  	[tilespmem:s18+$0x5C50] =	vst.add.f32.msk $0xffff, v5  }
0x2c: {  	[tilespmem:s18+$0x5C60] =	vst.add.f32.msk $0xffff, v6;
	s18 =	sshra.s32 s19, $0x2;
	s19 =	sadd.s32 $0x200, s19  }
0x2d: {  	v0 =	vld [tilespmem:s18+$0x1C70]  }
0x2e: {  	v1 =	vld [tilespmem:s18+$0x1C00]  }
0x2f: {  	v2 =	vld [tilespmem:s18+$0x1C10]  }
0x30: {  	v3 =	vld [tilespmem:s18+$0x1C20]  }
0x31: {  	v4 =	vld [tilespmem:s18+$0x1C30]  }
0x32: {  	v63 =	vld [tilespmem:s18+$0x1C40]  }
0x33: {  	v5 =	vld [tilespmem:s18+$0x1C50]  }
0x34: {  	v6 =	vld [tilespmem:s18+$0x1C60]  }
0x35: {  	[tilespmem:s18+$0x5C70] =	vst.add.f32.msk $0xffff, v0  }
0x36: {  	s17 =	sadd.s32 $0x1, s17;
	[tilespmem:s18+$0x5C00] =	vst.add.f32.msk $0xffff, v1  }
0x37: {  	p0 =	sne.s32 s17, $0x32;
	[tilespmem:s18+$0x5C10] =	vst.add.f32.msk $0xffff, v2  }
.Ltmp1:
0x38: {  	[tilespmem:s18+$0x5C20] =	vst.add.f32.msk $0xffff, v3;
	(pc) =	sbr.rel @p0 .LBB2_2-.Ltmp1, $4  }
0x39: {  	[tilespmem:s18+$0x5C30] =	vst.add.f32.msk $0xffff, v4  }
0x3a: {  	[tilespmem:s18+$0x5C40] =	vst.add.f32.msk $0xffff, v63  }
0x3b: {  	[tilespmem:s18+$0x5C50] =	vst.add.f32.msk $0xffff, v5  }
0x3c: {  	[tilespmem:s18+$0x5C60] =	vst.add.f32.msk $0xffff, v6  }
0x3d: {  	s16 =	sadd.s32 $0x1, s16  }
0x3e: {  	p0 =	sne.s32 s16, s7  }
.Ltmp2:
0x3f: {  	_ = 	snop;
	(pc) =	sbr.rel @p0 .LBB2_1-.Ltmp2, $4  }
0x40: {  	[hbm4b:s6+s3] =	stream.linear.scatter [tilespmem:s13], [sflag:$0x2], $0x4000, $0x38;
	[tilespmem:$0x9C00] =	vst v63  }
0x41: {  	_ =	swait.ge [sflag:s11], $0x4000  }
0x42: {  	[sflag:s11] =	ssyncset.done $0x0  }
0x43: {  	[sflag:s11] =	ssyncadd.s32 $0xFFFFC000  }
0x44: {  	_ =	sfence.sel $0x180000  }
0x45: {  	[bflag:$0x0] =	sbarrier.arrive $0xFFFF  }
0x46: {  	p0 =	sne.s32 s2, $0x0;
	_ =	strace $0x90000047  }
0x47: {  	s0 =	sadd.s32 @!p0 $0x100000, s0;
	[bflag:$0x2] =	sbarrier.arrive $0xFFFF  }
0x48: {  	[sflag:s0] =	ssyncadd.tile.s32 @!p0 $0x1;
	_ =	shalt  }
.Lfunc_end2:
_tile_overlayer_lowered:
.L_overlay_start_2:
0x49: {  	(tag) =	ssettag $0x2  }
0x4a: {  	s0 =	rddreg [dreg:$0x0];
	s2 =	stileid.u32  }
0x4b: {  	s1 =	rddreg [dreg:$0x1];
	p0 =	sne.s32 s2, $0x0  }
0x4c: {  	s3 =	rddreg [dreg:$0x2];
	[bflag:$0x3] =	sbarrier.arrive $0xFFFF;
	s2 =	simm.s32 @!p0 $0x1C02  }
0x4d: {  	[timem:s3], [sflag:s2] =	dma.local @!p0 [hbm:s0], s1  }
0x4e: {  	s0 =	simm.s32 @!p0 $0x2  }
0x4f: {  	_ =	swait.ge @!p0 [sflag:s0], s1  }
0x50: {  	s1 =	ssub.s32 @!p0 $0x0, s1;
	[sflag:s0] =	ssyncset.done @!p0 $0x0  }
0x51: {  	[sflag:s0] =	ssyncadd.s32 @!p0 s1  }
0x52: {  	[bflag:$0x3] =	sbarrier.arrive $0xFFFF  }
0x53: {  	_ =	shalt  }

</sc_bundles>
